<compile_context>
chip_gen: v7x
topology: tpu7x:2x2x1
jax: 0.10.2.dev20260603
libtpu: 0.0.44.dev20260713+nightly
codegen_flags: <defaults>
</compile_context>

<pallas_src>
import functools

import jax
import jax.numpy as jnp
from jax import lax
from jax.experimental import pallas as pl
from jax.experimental.pallas import tpu as pltpu
from jax.experimental.pallas import tpu_sc as plsc

_NUM_EXPERTS = 8
_HIDDEN = 768
_BR = 4096

_NEG_INF = float("-inf")


def _logits_kernel(x_ref, w_ref, lg_ref):
    x = x_ref[...]
    w = w_ref[...]
    lg_ref[...] = jax.lax.dot_general(
        w, x, (((1,), (1,)), ((), ())),
        preferred_element_type=jnp.float32,
    )


def _tc_logits(xs, weight, n):
    return pl.pallas_call(
        _logits_kernel,
        grid=(n // _BR,),
        in_specs=[
            pl.BlockSpec((_BR, _HIDDEN), lambda i: (i, 0)),
            pl.BlockSpec((_NUM_EXPERTS, _HIDDEN), lambda i: (0, 0)),
        ],
        out_specs=pl.BlockSpec((_NUM_EXPERTS, _BR), lambda i: (0, i)),
        out_shape=jax.ShapeDtypeStruct((_NUM_EXPERTS, n), jnp.float32),
        compiler_params=pltpu.CompilerParams(
            dimension_semantics=("parallel",),
        ),
    )(xs, weight)


def _make_sc_gate(n):
    info = plsc.get_sparse_core_info()
    nc, ns, lanes = info.num_cores, info.num_subcores, info.num_lanes
    nw = nc * ns
    tok_w = n // nw
    groups = tok_w // lanes

    mesh = plsc.VectorSubcoreMesh(core_axis_name="c", subcore_axis_name="s")

    @functools.partial(
        pl.kernel,
        mesh=mesh,
        out_type=[
            jax.ShapeDtypeStruct((2, n), jnp.int32),
            jax.ShapeDtypeStruct((2, n), jnp.float32),
        ],
        scratch_types=[
            pltpu.VMEM((_NUM_EXPERTS, tok_w), jnp.float32),
            pltpu.VMEM((2, tok_w), jnp.int32),
            pltpu.VMEM((2, tok_w), jnp.float32),
        ],
    )
    def sc_gate(lg_hbm, idx_hbm, wgt_hbm, lg_v, idx_v, wgt_v):
        wid = lax.axis_index("s") * nc + lax.axis_index("c")
        base = wid * tok_w
        pltpu.sync_copy(lg_hbm.at[:, pl.ds(base, tok_w)], lg_v)

        def body(g, carry):
            off = g * lanes
            vs = [lg_v[e, pl.ds(off, lanes)] for e in range(_NUM_EXPERTS)]

            m = vs[0]
            for e in range(1, _NUM_EXPERTS):
                m = jnp.maximum(m, vs[e])

            i1 = jnp.zeros((lanes,), jnp.int32)
            for e in range(_NUM_EXPERTS - 1, -1, -1):
                i1 = jnp.where(vs[e] == m, jnp.full((lanes,), e, jnp.int32), i1)

            neg = jnp.full((lanes,), _NEG_INF, jnp.float32)
            ms = [
                jnp.where(i1 == jnp.full((lanes,), e, jnp.int32), neg, vs[e])
                for e in range(_NUM_EXPERTS)
            ]
            v2 = ms[0]
            for e in range(1, _NUM_EXPERTS):
                v2 = jnp.maximum(v2, ms[e])
            i2 = jnp.zeros((lanes,), jnp.int32)
            for e in range(_NUM_EXPERTS - 1, -1, -1):
                i2 = jnp.where(ms[e] == v2, jnp.full((lanes,), e, jnp.int32), i2)

            s = jnp.exp(vs[0] - m)
            for e in range(1, _NUM_EXPERTS):
                s = s + jnp.exp(vs[e] - m)

            idx_v[0, pl.ds(off, lanes)] = i1
            idx_v[1, pl.ds(off, lanes)] = i2
            wgt_v[0, pl.ds(off, lanes)] = 1.0 / s
            wgt_v[1, pl.ds(off, lanes)] = jnp.exp(v2 - m) / s
            return carry

        lax.fori_loop(0, groups, body, 0)

        pltpu.sync_copy(idx_v, idx_hbm.at[:, pl.ds(base, tok_w)])
        pltpu.sync_copy(wgt_v, wgt_hbm.at[:, pl.ds(base, tok_w)])

    return sc_gate


def kernel(x, weight):
    b, s, h = x.shape
    n = b * s
    xs = x.reshape(n, h)

    logits_t = _tc_logits(xs, weight, n)
    idx_t, wgt_t = _make_sc_gate(n)(logits_t)
    return (idx_t.T, wgt_t.T)

# --- scband reference (transcript-rebuilt; emitter-appended) ---
"""Pipeline reference for scband-mo-egate-35476429865152 (READ-ONLY COPY).

The authoritative reference and input builder live on the scoring server;
editing this copy changes nothing except your own understanding.
"""

import jax, jax.numpy as jnp
import numpy as np
import math

NUM_EXPERTS = 8
TOP_K = 2
HIDDEN = 768

def setup_inputs(seed: int = 0) -> dict:
    key = jax.random.key(seed)
    kx, kw = jax.random.split(key)
    x = jax.random.normal(kx, (4, 8192, HIDDEN), dtype=jnp.float32)
    # kaiming_uniform_(a=sqrt(5)) on (n_routed_experts, hidden_size):
    # bound = sqrt(6 / ((1 + a^2) * fan_in)) = sqrt(1 / fan_in)
    bound = math.sqrt(1.0 / HIDDEN)
    weight = jax.random.uniform(kw, (NUM_EXPERTS, HIDDEN), dtype=jnp.float32, minval=-bound, maxval=bound)
    return {"x": x, "weight": weight}

def reference(x, weight):
    b, s, h = x.shape
    hidden_states = x.reshape(-1, h)
    logits = hidden_states.astype(jnp.float32) @ weight.astype(jnp.float32).T
    scores = jax.nn.softmax(logits, axis=-1)
    topk_weight, topk_idx = jax.lax.top_k(scores, TOP_K)
    return (topk_idx, topk_weight)

if __name__ == "__main__":
    import jax
    _d = setup_inputs()
    print(jax.jit(kernel)(*tuple(_d.values())))

</pallas_src>

<mosaic_0001>
#map = affine_map<(d0, d1) -> (0, 0)>
module attributes {stable_mosaic.version = 14 : i64} {
  func.func @sc_gate(%arg0: i32, %arg1: i32, %arg2: memref<8x32768xf32, #tpu.memory_space<hbm>>, %arg3: memref<2x32768xi32, #tpu.memory_space<hbm>>, %arg4: memref<2x32768xf32, #tpu.memory_space<hbm>>, %arg5: memref<8x1024xf32, #tpu.memory_space<vmem>>, %arg6: memref<2x1024xi32, #tpu.memory_space<vmem>>, %arg7: memref<2x1024xf32, #tpu.memory_space<vmem>>) attributes {dimension_semantics = [#tpu.dimension_semantics<core_parallel>, #tpu.dimension_semantics<subcore_parallel>], iteration_bounds = array<i64: 2, 16>, scalar_prefetch = 0 : i64, scratch_operands = 3 : i64, tpu.core_type = #tpu.core_type<sc_vector_subcore>, window_params = [{transform_indices = #map}, {transform_indices = #map}, {transform_indices = #map}]} {
    %mul3A = arith.constant 2 : i32
    %mul3A_0 = arith.muli %arg1, %mul3A : i32
    %add3A = arith.addi %mul3A_0, %arg0 : i32
    %mul3A_1 = arith.constant 1024 : i32
    %mul3A_2 = arith.muli %add3A, %mul3A_1 : i32
    "tpu.region"() ({
      %run_scoped3A = tpu.sem_alloc : memref<!tpu.dma_semaphore, #tpu.memory_space<semaphore_mem>>
      %dma_start3A = arith.constant 0 : i32
      %dma_start3A_8 = tpu.memref_slice %arg2[%dma_start3A, %mul3A_2] : memref<8x32768xf32, #tpu.memory_space<hbm>> -> memref<8x1024xf32, #tpu.memory_space<hbm>>
      %dma_start3A_9 = arith.constant 0 : i32
      %dma_start3A_10 = tpu.memref_slice %arg2[%dma_start3A_9, %mul3A_2] : memref<8x32768xf32, #tpu.memory_space<hbm>> -> memref<8x1024xf32, #tpu.memory_space<hbm>>
      tpu.enqueue_dma source(%dma_start3A_10 : memref<8x1024xf32, #tpu.memory_space<hbm>>) target(%arg5 : memref<8x1024xf32, #tpu.memory_space<vmem>>) target_semaphore(%run_scoped3A : memref<!tpu.dma_semaphore, #tpu.memory_space<semaphore_mem>>)
      %dma_wait3A = arith.constant 0 : i32
      %dma_wait3A_11 = tpu.memref_slice %arg2[%dma_wait3A, %mul3A_2] : memref<8x32768xf32, #tpu.memory_space<hbm>> -> memref<8x1024xf32, #tpu.memory_space<hbm>>
      %dma_wait3A_12 = arith.constant 0 : i32
      %dma_wait3A_13 = tpu.memref_slice %arg2[%dma_wait3A_12, %mul3A_2] : memref<8x32768xf32, #tpu.memory_space<hbm>> -> memref<8x1024xf32, #tpu.memory_space<hbm>>
      tpu.wait_dma2 semaphore(%run_scoped3A : memref<!tpu.dma_semaphore, #tpu.memory_space<semaphore_mem>>) src(%dma_wait3A_13 : memref<8x1024xf32, #tpu.memory_space<hbm>>) dst(%arg5 : memref<8x1024xf32, #tpu.memory_space<vmem>>)
      tpu.yield
    }) : () -> ()
    %scan3A = arith.constant 0 : i32
    %scan3A_3 = arith.constant 0 : i32
    %scan3A_4 = arith.constant 64 : i32
    %scan3A_5 = arith.addi %scan3A_3, %scan3A_4 : i32
    %scan3A_6 = arith.constant 1 : i32
    scf.for %scan3A_8 = %scan3A_3 to %scan3A_5 step %scan3A_6  : i32 {
      %mul3A_9 = arith.constant 16 : i32
      %mul3A_10 = arith.muli %scan3A_8, %mul3A_9 : i32
      %get3A = arith.constant 0 : i32
      %get3A_11 = arith.index_cast %get3A : i32 to index
      %get3A_12 = arith.index_cast %mul3A_10 : i32 to index
      %get3A_13 = tpu.vector_load %arg5[%get3A_11, %get3A_12] {strides = array<i32>} : memref<8x1024xf32, #tpu.memory_space<vmem>>, vector<1x16xf32>,
      %get3A_14 = vector.shape_cast %get3A_13 : vector<1x16xf32> to vector<16xf32>
      %get3A_15 = arith.constant 1 : i32
      %get3A_16 = arith.index_cast %get3A_15 : i32 to index
      %get3A_17 = arith.index_cast %mul3A_10 : i32 to index
      %get3A_18 = tpu.vector_load %arg5[%get3A_16, %get3A_17] {strides = array<i32>} : memref<8x1024xf32, #tpu.memory_space<vmem>>, vector<1x16xf32>,
      %get3A_19 = vector.shape_cast %get3A_18 : vector<1x16xf32> to vector<16xf32>
      %get3A_20 = arith.constant 2 : i32
      %get3A_21 = arith.index_cast %get3A_20 : i32 to index
      %get3A_22 = arith.index_cast %mul3A_10 : i32 to index
      %get3A_23 = tpu.vector_load %arg5[%get3A_21, %get3A_22] {strides = array<i32>} : memref<8x1024xf32, #tpu.memory_space<vmem>>, vector<1x16xf32>,
      %get3A_24 = vector.shape_cast %get3A_23 : vector<1x16xf32> to vector<16xf32>
      %get3A_25 = arith.constant 3 : i32
      %get3A_26 = arith.index_cast %get3A_25 : i32 to index
      %get3A_27 = arith.index_cast %mul3A_10 : i32 to index
      %get3A_28 = tpu.vector_load %arg5[%get3A_26, %get3A_27] {strides = array<i32>} : memref<8x1024xf32, #tpu.memory_space<vmem>>, vector<1x16xf32>,
      %get3A_29 = vector.shape_cast %get3A_28 : vector<1x16xf32> to vector<16xf32>
      %get3A_30 = arith.constant 4 : i32
      %get3A_31 = arith.index_cast %get3A_30 : i32 to index
      %get3A_32 = arith.index_cast %mul3A_10 : i32 to index
      %get3A_33 = tpu.vector_load %arg5[%get3A_31, %get3A_32] {strides = array<i32>} : memref<8x1024xf32, #tpu.memory_space<vmem>>, vector<1x16xf32>,
      %get3A_34 = vector.shape_cast %get3A_33 : vector<1x16xf32> to vector<16xf32>
      %get3A_35 = arith.constant 5 : i32
      %get3A_36 = arith.index_cast %get3A_35 : i32 to index
      %get3A_37 = arith.index_cast %mul3A_10 : i32 to index
      %get3A_38 = tpu.vector_load %arg5[%get3A_36, %get3A_37] {strides = array<i32>} : memref<8x1024xf32, #tpu.memory_space<vmem>>, vector<1x16xf32>,
      %get3A_39 = vector.shape_cast %get3A_38 : vector<1x16xf32> to vector<16xf32>
      %get3A_40 = arith.constant 6 : i32
      %get3A_41 = arith.index_cast %get3A_40 : i32 to index
      %get3A_42 = arith.index_cast %mul3A_10 : i32 to index
      %get3A_43 = tpu.vector_load %arg5[%get3A_41, %get3A_42] {strides = array<i32>} : memref<8x1024xf32, #tpu.memory_space<vmem>>, vector<1x16xf32>,
      %get3A_44 = vector.shape_cast %get3A_43 : vector<1x16xf32> to vector<16xf32>
      %get3A_45 = arith.constant 7 : i32
      %get3A_46 = arith.index_cast %get3A_45 : i32 to index
      %get3A_47 = arith.index_cast %mul3A_10 : i32 to index
      %get3A_48 = tpu.vector_load %arg5[%get3A_46, %get3A_47] {strides = array<i32>} : memref<8x1024xf32, #tpu.memory_space<vmem>>, vector<1x16xf32>,
      %get3A_49 = vector.shape_cast %get3A_48 : vector<1x16xf32> to vector<16xf32>
      %max3A = arith.maximumf %get3A_14, %get3A_19 : vector<16xf32>
      %max3A_50 = arith.maximumf %max3A, %get3A_24 : vector<16xf32>
      %max3A_51 = arith.maximumf %max3A_50, %get3A_29 : vector<16xf32>
      %max3A_52 = arith.maximumf %max3A_51, %get3A_34 : vector<16xf32>
      %max3A_53 = arith.maximumf %max3A_52, %get3A_39 : vector<16xf32>
      %max3A_54 = arith.maximumf %max3A_53, %get3A_44 : vector<16xf32>
      %max3A_55 = arith.maximumf %max3A_54, %get3A_49 : vector<16xf32>
      %broadcast_in_dim3A = arith.constant 0 : i32
      %broadcast_in_dim3A_56 = vector.broadcast %broadcast_in_dim3A : i32 to vector<16xi32>
      %eq3A = arith.cmpf oeq, %get3A_49, %max3A_55 : vector<16xf32>
      %broadcast_in_dim3A_57 = arith.constant 7 : i32
      %broadcast_in_dim3A_58 = vector.broadcast %broadcast_in_dim3A_57 : i32 to vector<16xi32>
      %select_n3A = arith.select %eq3A, %broadcast_in_dim3A_58, %broadcast_in_dim3A_56 : vector<16xi1>, vector<16xi32>
      %eq3A_59 = arith.cmpf oeq, %get3A_44, %max3A_55 : vector<16xf32>
      %broadcast_in_dim3A_60 = arith.constant 6 : i32
      %broadcast_in_dim3A_61 = vector.broadcast %broadcast_in_dim3A_60 : i32 to vector<16xi32>
      %select_n3A_62 = arith.select %eq3A_59, %broadcast_in_dim3A_61, %select_n3A : vector<16xi1>, vector<16xi32>
      %eq3A_63 = arith.cmpf oeq, %get3A_39, %max3A_55 : vector<16xf32>
      %broadcast_in_dim3A_64 = arith.constant 5 : i32
      %broadcast_in_dim3A_65 = vector.broadcast %broadcast_in_dim3A_64 : i32 to vector<16xi32>
      %select_n3A_66 = arith.select %eq3A_63, %broadcast_in_dim3A_65, %select_n3A_62 : vector<16xi1>, vector<16xi32>
      %eq3A_67 = arith.cmpf oeq, %get3A_34, %max3A_55 : vector<16xf32>
      %broadcast_in_dim3A_68 = arith.constant 4 : i32
      %broadcast_in_dim3A_69 = vector.broadcast %broadcast_in_dim3A_68 : i32 to vector<16xi32>
      %select_n3A_70 = arith.select %eq3A_67, %broadcast_in_dim3A_69, %select_n3A_66 : vector<16xi1>, vector<16xi32>
      %eq3A_71 = arith.cmpf oeq, %get3A_29, %max3A_55 : vector<16xf32>
      %broadcast_in_dim3A_72 = arith.constant 3 : i32
      %broadcast_in_dim3A_73 = vector.broadcast %broadcast_in_dim3A_72 : i32 to vector<16xi32>
      %select_n3A_74 = arith.select %eq3A_71, %broadcast_in_dim3A_73, %select_n3A_70 : vector<16xi1>, vector<16xi32>
      %eq3A_75 = arith.cmpf oeq, %get3A_24, %max3A_55 : vector<16xf32>
      %broadcast_in_dim3A_76 = arith.constant 2 : i32
      %broadcast_in_dim3A_77 = vector.broadcast %broadcast_in_dim3A_76 : i32 to vector<16xi32>
      %select_n3A_78 = arith.select %eq3A_75, %broadcast_in_dim3A_77, %select_n3A_74 : vector<16xi1>, vector<16xi32>
      %eq3A_79 = arith.cmpf oeq, %get3A_19, %max3A_55 : vector<16xf32>
      %broadcast_in_dim3A_80 = arith.constant 1 : i32
      %broadcast_in_dim3A_81 = vector.broadcast %broadcast_in_dim3A_80 : i32 to vector<16xi32>
      %select_n3A_82 = arith.select %eq3A_79, %broadcast_in_dim3A_81, %select_n3A_78 : vector<16xi1>, vector<16xi32>
      %eq3A_83 = arith.cmpf oeq, %get3A_14, %max3A_55 : vector<16xf32>
      %broadcast_in_dim3A_84 = arith.constant 0 : i32
      %broadcast_in_dim3A_85 = vector.broadcast %broadcast_in_dim3A_84 : i32 to vector<16xi32>
      %select_n3A_86 = arith.select %eq3A_83, %broadcast_in_dim3A_85, %select_n3A_82 : vector<16xi1>, vector<16xi32>
      %broadcast_in_dim3A_87 = arith.constant 0xFF800000 : f32
      %broadcast_in_dim3A_88 = vector.broadcast %broadcast_in_dim3A_87 : f32 to vector<16xf32>
      %broadcast_in_dim3A_89 = arith.constant 0 : i32
      %broadcast_in_dim3A_90 = vector.broadcast %broadcast_in_dim3A_89 : i32 to vector<16xi32>
      %eq3A_91 = arith.cmpi eq, %select_n3A_86, %broadcast_in_dim3A_90 : vector<16xi32>
      %select_n3A_92 = arith.select %eq3A_91, %broadcast_in_dim3A_88, %get3A_14 : vector<16xi1>, vector<16xf32>
      %broadcast_in_dim3A_93 = arith.constant 1 : i32
      %broadcast_in_dim3A_94 = vector.broadcast %broadcast_in_dim3A_93 : i32 to vector<16xi32>
      %eq3A_95 = arith.cmpi eq, %select_n3A_86, %broadcast_in_dim3A_94 : vector<16xi32>
      %select_n3A_96 = arith.select %eq3A_95, %broadcast_in_dim3A_88, %get3A_19 : vector<16xi1>, vector<16xf32>
      %broadcast_in_dim3A_97 = arith.constant 2 : i32
      %broadcast_in_dim3A_98 = vector.broadcast %broadcast_in_dim3A_97 : i32 to vector<16xi32>
      %eq3A_99 = arith.cmpi eq, %select_n3A_86, %broadcast_in_dim3A_98 : vector<16xi32>
      %select_n3A_100 = arith.select %eq3A_99, %broadcast_in_dim3A_88, %get3A_24 : vector<16xi1>, vector<16xf32>
      %broadcast_in_dim3A_101 = arith.constant 3 : i32
      %broadcast_in_dim3A_102 = vector.broadcast %broadcast_in_dim3A_101 : i32 to vector<16xi32>
      %eq3A_103 = arith.cmpi eq, %select_n3A_86, %broadcast_in_dim3A_102 : vector<16xi32>
      %select_n3A_104 = arith.select %eq3A_103, %broadcast_in_dim3A_88, %get3A_29 : vector<16xi1>, vector<16xf32>
      %broadcast_in_dim3A_105 = arith.constant 4 : i32
      %broadcast_in_dim3A_106 = vector.broadcast %broadcast_in_dim3A_105 : i32 to vector<16xi32>
      %eq3A_107 = arith.cmpi eq, %select_n3A_86, %broadcast_in_dim3A_106 : vector<16xi32>
      %select_n3A_108 = arith.select %eq3A_107, %broadcast_in_dim3A_88, %get3A_34 : vector<16xi1>, vector<16xf32>
      %broadcast_in_dim3A_109 = arith.constant 5 : i32
      %broadcast_in_dim3A_110 = vector.broadcast %broadcast_in_dim3A_109 : i32 to vector<16xi32>
      %eq3A_111 = arith.cmpi eq, %select_n3A_86, %broadcast_in_dim3A_110 : vector<16xi32>
      %select_n3A_112 = arith.select %eq3A_111, %broadcast_in_dim3A_88, %get3A_39 : vector<16xi1>, vector<16xf32>
      %broadcast_in_dim3A_113 = arith.constant 6 : i32
      %broadcast_in_dim3A_114 = vector.broadcast %broadcast_in_dim3A_113 : i32 to vector<16xi32>
      %eq3A_115 = arith.cmpi eq, %select_n3A_86, %broadcast_in_dim3A_114 : vector<16xi32>
      %select_n3A_116 = arith.select %eq3A_115, %broadcast_in_dim3A_88, %get3A_44 : vector<16xi1>, vector<16xf32>
      %broadcast_in_dim3A_117 = arith.constant 7 : i32
      %broadcast_in_dim3A_118 = vector.broadcast %broadcast_in_dim3A_117 : i32 to vector<16xi32>
      %eq3A_119 = arith.cmpi eq, %select_n3A_86, %broadcast_in_dim3A_118 : vector<16xi32>
      %select_n3A_120 = arith.select %eq3A_119, %broadcast_in_dim3A_88, %get3A_49 : vector<16xi1>, vector<16xf32>
      %max3A_121 = arith.maximumf %select_n3A_92, %select_n3A_96 : vector<16xf32>
      %max3A_122 = arith.maximumf %max3A_121, %select_n3A_100 : vector<16xf32>
      %max3A_123 = arith.maximumf %max3A_122, %select_n3A_104 : vector<16xf32>
      %max3A_124 = arith.maximumf %max3A_123, %select_n3A_108 : vector<16xf32>
      %max3A_125 = arith.maximumf %max3A_124, %select_n3A_112 : vector<16xf32>
      %max3A_126 = arith.maximumf %max3A_125, %select_n3A_116 : vector<16xf32>
      %max3A_127 = arith.maximumf %max3A_126, %select_n3A_120 : vector<16xf32>
      %broadcast_in_dim3A_128 = arith.constant 0 : i32
      %broadcast_in_dim3A_129 = vector.broadcast %broadcast_in_dim3A_128 : i32 to vector<16xi32>
      %eq3A_130 = arith.cmpf oeq, %select_n3A_120, %max3A_127 : vector<16xf32>
      %broadcast_in_dim3A_131 = arith.constant 7 : i32
      %broadcast_in_dim3A_132 = vector.broadcast %broadcast_in_dim3A_131 : i32 to vector<16xi32>
      %select_n3A_133 = arith.select %eq3A_130, %broadcast_in_dim3A_132, %broadcast_in_dim3A_129 : vector<16xi1>, vector<16xi32>
      %eq3A_134 = arith.cmpf oeq, %select_n3A_116, %max3A_127 : vector<16xf32>
      %broadcast_in_dim3A_135 = arith.constant 6 : i32
      %broadcast_in_dim3A_136 = vector.broadcast %broadcast_in_dim3A_135 : i32 to vector<16xi32>
      %select_n3A_137 = arith.select %eq3A_134, %broadcast_in_dim3A_136, %select_n3A_133 : vector<16xi1>, vector<16xi32>
      %eq3A_138 = arith.cmpf oeq, %select_n3A_112, %max3A_127 : vector<16xf32>
      %broadcast_in_dim3A_139 = arith.constant 5 : i32
      %broadcast_in_dim3A_140 = vector.broadcast %broadcast_in_dim3A_139 : i32 to vector<16xi32>
      %select_n3A_141 = arith.select %eq3A_138, %broadcast_in_dim3A_140, %select_n3A_137 : vector<16xi1>, vector<16xi32>
      %eq3A_142 = arith.cmpf oeq, %select_n3A_108, %max3A_127 : vector<16xf32>
      %broadcast_in_dim3A_143 = arith.constant 4 : i32
      %broadcast_in_dim3A_144 = vector.broadcast %broadcast_in_dim3A_143 : i32 to vector<16xi32>
      %select_n3A_145 = arith.select %eq3A_142, %broadcast_in_dim3A_144, %select_n3A_141 : vector<16xi1>, vector<16xi32>
      %eq3A_146 = arith.cmpf oeq, %select_n3A_104, %max3A_127 : vector<16xf32>
      %broadcast_in_dim3A_147 = arith.constant 3 : i32
      %broadcast_in_dim3A_148 = vector.broadcast %broadcast_in_dim3A_147 : i32 to vector<16xi32>
      %select_n3A_149 = arith.select %eq3A_146, %broadcast_in_dim3A_148, %select_n3A_145 : vector<16xi1>, vector<16xi32>
      %eq3A_150 = arith.cmpf oeq, %select_n3A_100, %max3A_127 : vector<16xf32>
      %broadcast_in_dim3A_151 = arith.constant 2 : i32
      %broadcast_in_dim3A_152 = vector.broadcast %broadcast_in_dim3A_151 : i32 to vector<16xi32>
      %select_n3A_153 = arith.select %eq3A_150, %broadcast_in_dim3A_152, %select_n3A_149 : vector<16xi1>, vector<16xi32>
      %eq3A_154 = arith.cmpf oeq, %select_n3A_96, %max3A_127 : vector<16xf32>
      %broadcast_in_dim3A_155 = arith.constant 1 : i32
      %broadcast_in_dim3A_156 = vector.broadcast %broadcast_in_dim3A_155 : i32 to vector<16xi32>
      %select_n3A_157 = arith.select %eq3A_154, %broadcast_in_dim3A_156, %select_n3A_153 : vector<16xi1>, vector<16xi32>
      %eq3A_158 = arith.cmpf oeq, %select_n3A_92, %max3A_127 : vector<16xf32>
      %broadcast_in_dim3A_159 = arith.constant 0 : i32
      %broadcast_in_dim3A_160 = vector.broadcast %broadcast_in_dim3A_159 : i32 to vector<16xi32>
      %select_n3A_161 = arith.select %eq3A_158, %broadcast_in_dim3A_160, %select_n3A_157 : vector<16xi1>, vector<16xi32>
      %sub3A = arith.subf %get3A_14, %max3A_55 : vector<16xf32>
      %exp3A = math.exp %sub3A : vector<16xf32>
      %sub3A_162 = arith.subf %get3A_19, %max3A_55 : vector<16xf32>
      %exp3A_163 = math.exp %sub3A_162 : vector<16xf32>
      %add3A_164 = arith.addf %exp3A, %exp3A_163 : vector<16xf32>
      %sub3A_165 = arith.subf %get3A_24, %max3A_55 : vector<16xf32>
      %exp3A_166 = math.exp %sub3A_165 : vector<16xf32>
      %add3A_167 = arith.addf %add3A_164, %exp3A_166 : vector<16xf32>
      %sub3A_168 = arith.subf %get3A_29, %max3A_55 : vector<16xf32>
      %exp3A_169 = math.exp %sub3A_168 : vector<16xf32>
      %add3A_170 = arith.addf %add3A_167, %exp3A_169 : vector<16xf32>
      %sub3A_171 = arith.subf %get3A_34, %max3A_55 : vector<16xf32>
      %exp3A_172 = math.exp %sub3A_171 : vector<16xf32>
      %add3A_173 = arith.addf %add3A_170, %exp3A_172 : vector<16xf32>
      %sub3A_174 = arith.subf %get3A_39, %max3A_55 : vector<16xf32>
      %exp3A_175 = math.exp %sub3A_174 : vector<16xf32>
      %add3A_176 = arith.addf %add3A_173, %exp3A_175 : vector<16xf32>
      %sub3A_177 = arith.subf %get3A_44, %max3A_55 : vector<16xf32>
      %exp3A_178 = math.exp %sub3A_177 : vector<16xf32>
      %add3A_179 = arith.addf %add3A_176, %exp3A_178 : vector<16xf32>
      %sub3A_180 = arith.subf %get3A_49, %max3A_55 : vector<16xf32>
      %exp3A_181 = math.exp %sub3A_180 : vector<16xf32>
      %add3A_182 = arith.addf %add3A_179, %exp3A_181 : vector<16xf32>
      %swap3A = arith.constant 0 : i32
      %swap3A_183 = arith.index_cast %swap3A : i32 to index
      %swap3A_184 = arith.index_cast %mul3A_10 : i32 to index
      %swap3A_185 = tpu.vector_load %arg6[%swap3A_183, %swap3A_184] {strides = array<i32>} : memref<2x1024xi32, #tpu.memory_space<vmem>>, vector<1x16xi32>,
      %swap3A_186 = vector.shape_cast %swap3A_185 : vector<1x16xi32> to vector<16xi32>
      %swap3A_187 = vector.shape_cast %select_n3A_86 : vector<16xi32> to vector<1x16xi32>
      tpu.vector_store %arg6[%swap3A_183, %swap3A_184], %swap3A_187 {strides = array<i32>} : memref<2x1024xi32, #tpu.memory_space<vmem>>, vector<1x16xi32>,
      %swap3A_188 = arith.constant 1 : i32
      %swap3A_189 = arith.index_cast %swap3A_188 : i32 to index
      %swap3A_190 = arith.index_cast %mul3A_10 : i32 to index
      %swap3A_191 = tpu.vector_load %arg6[%swap3A_189, %swap3A_190] {strides = array<i32>} : memref<2x1024xi32, #tpu.memory_space<vmem>>, vector<1x16xi32>,
      %swap3A_192 = vector.shape_cast %swap3A_191 : vector<1x16xi32> to vector<16xi32>
      %swap3A_193 = vector.shape_cast %select_n3A_161 : vector<16xi32> to vector<1x16xi32>
      tpu.vector_store %arg6[%swap3A_189, %swap3A_190], %swap3A_193 {strides = array<i32>} : memref<2x1024xi32, #tpu.memory_space<vmem>>, vector<1x16xi32>,
      %div3A = arith.constant 1.000000e+00 : f32
      %div3A_194 = vector.broadcast %div3A : f32 to vector<16xf32>
      %div3A_195 = arith.divf %div3A_194, %add3A_182 : vector<16xf32>
      %swap3A_196 = arith.constant 0 : i32
      %swap3A_197 = arith.index_cast %swap3A_196 : i32 to index
      %swap3A_198 = arith.index_cast %mul3A_10 : i32 to index
      %swap3A_199 = tpu.vector_load %arg7[%swap3A_197, %swap3A_198] {strides = array<i32>} : memref<2x1024xf32, #tpu.memory_space<vmem>>, vector<1x16xf32>,
      %swap3A_200 = vector.shape_cast %swap3A_199 : vector<1x16xf32> to vector<16xf32>
      %swap3A_201 = vector.shape_cast %div3A_195 : vector<16xf32> to vector<1x16xf32>
      tpu.vector_store %arg7[%swap3A_197, %swap3A_198], %swap3A_201 {strides = array<i32>} : memref<2x1024xf32, #tpu.memory_space<vmem>>, vector<1x16xf32>,
      %sub3A_202 = arith.subf %max3A_127, %max3A_55 : vector<16xf32>
      %exp3A_203 = math.exp %sub3A_202 : vector<16xf32>
      %div3A_204 = arith.divf %exp3A_203, %add3A_182 : vector<16xf32>
      %swap3A_205 = arith.constant 1 : i32
      %swap3A_206 = arith.index_cast %swap3A_205 : i32 to index
      %swap3A_207 = arith.index_cast %mul3A_10 : i32 to index
      %swap3A_208 = tpu.vector_load %arg7[%swap3A_206, %swap3A_207] {strides = array<i32>} : memref<2x1024xf32, #tpu.memory_space<vmem>>, vector<1x16xf32>,
      %swap3A_209 = vector.shape_cast %swap3A_208 : vector<1x16xf32> to vector<16xf32>
      %swap3A_210 = vector.shape_cast %div3A_204 : vector<16xf32> to vector<1x16xf32>
      tpu.vector_store %arg7[%swap3A_206, %swap3A_207], %swap3A_210 {strides = array<i32>} : memref<2x1024xf32, #tpu.memory_space<vmem>>, vector<1x16xf32>,
    }
    %scan3A_7 = arith.constant 64 : i32
    "tpu.region"() ({
      %run_scoped3A = tpu.sem_alloc : memref<!tpu.dma_semaphore, #tpu.memory_space<semaphore_mem>>
      %dma_start3A = arith.constant 0 : i32
      %dma_start3A_8 = tpu.memref_slice %arg3[%dma_start3A, %mul3A_2] : memref<2x32768xi32, #tpu.memory_space<hbm>> -> memref<2x1024xi32, #tpu.memory_space<hbm>>
      %dma_start3A_9 = arith.constant 0 : i32
      %dma_start3A_10 = tpu.memref_slice %arg3[%dma_start3A_9, %mul3A_2] : memref<2x32768xi32, #tpu.memory_space<hbm>> -> memref<2x1024xi32, #tpu.memory_space<hbm>>
      tpu.enqueue_dma source(%arg6 : memref<2x1024xi32, #tpu.memory_space<vmem>>) target(%dma_start3A_10 : memref<2x1024xi32, #tpu.memory_space<hbm>>) target_semaphore(%run_scoped3A : memref<!tpu.dma_semaphore, #tpu.memory_space<semaphore_mem>>)
      %dma_wait3A = arith.constant 0 : i32
      %dma_wait3A_11 = tpu.memref_slice %arg3[%dma_wait3A, %mul3A_2] : memref<2x32768xi32, #tpu.memory_space<hbm>> -> memref<2x1024xi32, #tpu.memory_space<hbm>>
      %dma_wait3A_12 = arith.constant 0 : i32
      %dma_wait3A_13 = tpu.memref_slice %arg3[%dma_wait3A_12, %mul3A_2] : memref<2x32768xi32, #tpu.memory_space<hbm>> -> memref<2x1024xi32, #tpu.memory_space<hbm>>
      tpu.wait_dma2 semaphore(%run_scoped3A : memref<!tpu.dma_semaphore, #tpu.memory_space<semaphore_mem>>) src(%arg6 : memref<2x1024xi32, #tpu.memory_space<vmem>>) dst(%dma_wait3A_13 : memref<2x1024xi32, #tpu.memory_space<hbm>>)
      tpu.yield
    }) : () -> ()
    "tpu.region"() ({
      %run_scoped3A = tpu.sem_alloc : memref<!tpu.dma_semaphore, #tpu.memory_space<semaphore_mem>>
      %dma_start3A = arith.constant 0 : i32
      %dma_start3A_8 = tpu.memref_slice %arg4[%dma_start3A, %mul3A_2] : memref<2x32768xf32, #tpu.memory_space<hbm>> -> memref<2x1024xf32, #tpu.memory_space<hbm>>
      %dma_start3A_9 = arith.constant 0 : i32
      %dma_start3A_10 = tpu.memref_slice %arg4[%dma_start3A_9, %mul3A_2] : memref<2x32768xf32, #tpu.memory_space<hbm>> -> memref<2x1024xf32, #tpu.memory_space<hbm>>
      tpu.enqueue_dma source(%arg7 : memref<2x1024xf32, #tpu.memory_space<vmem>>) target(%dma_start3A_10 : memref<2x1024xf32, #tpu.memory_space<hbm>>) target_semaphore(%run_scoped3A : memref<!tpu.dma_semaphore, #tpu.memory_space<semaphore_mem>>)
      %dma_wait3A = arith.constant 0 : i32
      %dma_wait3A_11 = tpu.memref_slice %arg4[%dma_wait3A, %mul3A_2] : memref<2x32768xf32, #tpu.memory_space<hbm>> -> memref<2x1024xf32, #tpu.memory_space<hbm>>
      %dma_wait3A_12 = arith.constant 0 : i32
      %dma_wait3A_13 = tpu.memref_slice %arg4[%dma_wait3A_12, %mul3A_2] : memref<2x32768xf32, #tpu.memory_space<hbm>> -> memref<2x1024xf32, #tpu.memory_space<hbm>>
      tpu.wait_dma2 semaphore(%run_scoped3A : memref<!tpu.dma_semaphore, #tpu.memory_space<semaphore_mem>>) src(%arg7 : memref<2x1024xf32, #tpu.memory_space<vmem>>) dst(%dma_wait3A_13 : memref<2x1024xf32, #tpu.memory_space<hbm>>)
      tpu.yield
    }) : () -> ()
    return
  }
}

module attributes {stable_mosaic.version = 14 : i64} {
  func.func @_logits_kernel(%arg0: i32, %arg1: memref<4096x768xf32, #tpu.memory_space<vmem>>, %arg2: memref<8x768xf32, #tpu.memory_space<vmem>>, %arg3: memref<8x4096xf32, #tpu.memory_space<vmem>>) attributes {dimension_semantics = [#tpu.dimension_semantics<parallel>], iteration_bounds = array<i64: 8>, scalar_prefetch = 0 : i64, scratch_operands = 0 : i64, tpu.core_type = #tpu.core_type<tc>, window_params = [{transform_indices = @transform_0, window_bounds = array<i64: 4096, 768>}, {pipeline_mode = #tpu.pipeline_mode<synchronous>, transform_indices = @transform_1, window_bounds = array<i64: 8, 768>}, {transform_indices = @transform_2, window_bounds = array<i64: 8, 4096>}]} {
    %get3A = arith.constant 0 : index
    %get3A_0 = arith.constant 0 : index
    %get3A_1 = vector.load %arg1[%get3A, %get3A_0] : memref<4096x768xf32, #tpu.memory_space<vmem>>, vector<4096x768xf32>
    %get3A_2 = arith.constant 0 : index
    %get3A_3 = arith.constant 0 : index
    %get3A_4 = vector.load %arg2[%get3A_2, %get3A_3] : memref<8x768xf32, #tpu.memory_space<vmem>>, vector<8x768xf32>
    %dot_general3A = arith.constant dense<0.000000e+00> : vector<8x4096xf32>
    %dot_general3A_5 = tpu.matmul %get3A_4, %get3A_1, %dot_general3A {dimension_numbers = #tpu.dot_dimension_numbers<[1], [1], [0], [0], [0, 0, 1, 0], [], []>, transpose_lhs_hint = false} : vector<8x768xf32>, vector<4096x768xf32>, vector<8x4096xf32> -> vector<8x4096xf32>
    %swap3A = arith.constant 0 : index
    %swap3A_6 = arith.constant 0 : index
    %swap3A_7 = vector.load %arg3[%swap3A, %swap3A_6] : memref<8x4096xf32, #tpu.memory_space<vmem>>, vector<8x4096xf32>
    tpu.vector_store %arg3[%swap3A, %swap3A_6], %dot_general3A_5 {strides = array<i32>} : memref<8x4096xf32, #tpu.memory_space<vmem>>, vector<8x4096xf32>,
    return
  }
  func.func @transform_0(%arg0: i32) -> (i32, i32) {
    %c0_i32 = arith.constant 0 : i32
    %c0_i32_0 = arith.constant 0 : i32
    return %arg0, %c0_i32 : i32, i32
  }
  func.func @transform_1(%arg0: i32) -> (i32, i32) {
    %c0_i32 = arith.constant 0 : i32
    %c0_i32_0 = arith.constant 0 : i32
    %c0_i32_1 = arith.constant 0 : i32
    return %c0_i32, %c0_i32_0 : i32, i32
  }
  func.func @transform_2(%arg0: i32) -> (i32, i32) {
    %c0_i32 = arith.constant 0 : i32
    %c0_i32_0 = arith.constant 0 : i32
    return %c0_i32, %arg0 : i32, i32
  }
}

</mosaic_0001>

<sc_bundles>
// kernel: kernel.4.cloned.1.call-start
scs
__scs_entry_jumppad:
0x0: {  	(pc) =	sbr.rel $0x88, $3  }
0x1: {  	(tag) =	ssettag $0x0;
	lr =	simm.s32 $0x1  }
0x2: {  	[smem:$0x3F9F] =	sst lr;
	_ =	strace $0xD0000000  }
0x3: {  	_ = 	snop  }
0x4: {  	_ = 	snop  }
0x5: {  	_ = 	snop  }
0x6: {  	_ = 	snop  }
0x7: {  	_ = 	snop  }
__scs_overlays_trampoline_lowered:
0x8: {  	[smem:$0x3FAE] =	sst s0  }
0x9: {  	[smem:$0x3FAF] =	sst s1  }
0xa: {  	[smem:$0x3FB0] =	sst s2  }
0xb: {  	[smem:$0x3FB1] =	sst s3  }
0xc: {  	[smem:$0x3FB2] =	sst s4  }
0xd: {  	[smem:$0x3FB3] =	sst s5  }
0xe: {  	[smem:$0x3FB4] =	sst s6  }
0xf: {  	[smem:$0x3FB5] =	sst s7  }
0x10: {  	[smem:$0x3FB6] =	sst s8  }
0x11: {  	[smem:$0x3FB7] =	sst s9;
	s0 =	simm.s32 @!p0 $0x0  }
0x12: {  	s1 =	sld [smem:$0x3F9D];
	s0 =	simm.s32 @p0 $0x1  }
0x13: {  	[smem:$0x3FB8] =	sst s0;
	s0 =	simm.s32 @!p1 $0x0  }
0x14: {  	s2 =	sld [smem:$0x3F9C];
	s0 =	simm.s32 @p1 $0x1  }
0x15: {  	[smem:$0x3FB9] =	sst s0;
	s0 =	simm.s32 @!p2 $0x0  }
0x16: {  	s3 =	sld [smem:$0x3FDB];
	s0 =	simm.s32 @p2 $0x1  }
0x17: {  	s4 =	simm.s32 $0x1BF5;
	[smem:$0x3FBB] =	sst s0  }
0x18: {  	s0 =	sld [smem:$0x3F9E];
	_ =	swait.ge [sflag:s4], $0x0  }
0x19: {  	s7 =	sld [smem:$0x3F9F]  }
0x1a: {  	s8 =	sadd.s32 $0xFFFFE003, lr  }
0x1b: {  	s9 =	sadd.s32 $0xFFFFFEF7, lr;
	s5 =	simm.s32 $0xFFFFFFFF;
	p2 =	slt.u32 s8, $0xFFFFF086  }
0x1c: {  	p1 =	slt.u32 s9, $0xF7A;
	s5 =	simm.s32 @!p2 $0x0  }
0x1d: {  	s5 =	simm.s32 @p1 $0x1;
	p0 =	seq.s32 s7, s2  }
0x1e: {  	s7 =	smul.u32 @!p0 $0xF7A, s2;
	p2 =	seq.s32 @!p0 s5, $0x0  }
0x1f: {  	s9 =	smul.u32 $0xF7A, s1;
	s8 =	simm.s32 @!p0 $0x1BF5;
	p2 =	por !p2, p0  }
0x20: {  	[sflag:s8] =	ssyncset.s32 @!p0 $0xFFFFF086;
	s6 =	sadd.s32 @!p0 s3, s7;
	s7 =	simm.s32 @!p0 $0x108  }
0x21: {  	s3 =	sadd.s32 s3, s9;
	s6 =	sadd.s32 @!p0 $0x88, s6;
	s7 =	simm.s32 @p2 $0x1082  }
0x22: {  	[simem:s7], [sflag:s8] =	dma.local @!p0 [hbm:s6], $0xF7A  }
0x23: {  	s9 =	sor.u32 $0xD0000000, s2;
	s6 =	simm.s32 $0x108;
	_ =	swait.ge @!p0 [sflag:s8], $0x0  }
0x24: {  	s3 =	sadd.s32 $0x88, s3;
	s6 =	simm.s32 @!p1 $0x1082;
	[sflag:s4] =	ssyncset.s32 $0xFFFFF086  }
0x25: {  	[simem:s6], [sflag:s4] =	dma.local [hbm:s3], $0xF7A  }
0x26: {  	[smem:$0x3F9F] =	sst s1;
	(tag) =	ssettag s2;
	_ =	strace s9  }
0x27: {  	s1 =	sld [smem:$0x3FAF]  }
0x28: {  	s2 =	sld [smem:$0x3FB0]  }
0x29: {  	s4 =	sld [smem:$0x3FB2]  }
0x2a: {  	p0 =	seq.s32 s5, $0x0;
	s5 =	sld [smem:$0x3FB3]  }
0x2b: {  	s6 =	sld [smem:$0x3FB4]  }
0x2c: {  	s7 =	sld [smem:$0x3FB5]  }
0x2d: {  	s3 =	simm.s32 $0x108;
	s8 =	sld [smem:$0x3FB6]  }
0x2e: {  	s3 =	simm.s32 @!p0 $0x1082;
	s9 =	sld [smem:$0x3FB7]  }
0x2f: {  	lr =	sadd.s32 s0, s3;
	s0 =	sld [smem:$0x3FAE]  }
0x30: {  	s3 =	sld [smem:$0x3FB1]  }
0x31: {  	[smem:$0x3FBA] =	sst s10  }
0x32: {  	s10 =	sld [smem:$0x3FB8];
	_ =	sdelay $0x3  }
0x33: {  	p0 =	seq.s32 s10, $0x1;
	s10 =	sld [smem:$0x3FBA];
	_ =	sdelay $0x3  }
0x34: {  	[smem:$0x3FBA] =	sst s10  }
0x35: {  	s10 =	sld [smem:$0x3FB9];
	_ =	sdelay $0x3  }
0x36: {  	p1 =	seq.s32 s10, $0x1;
	s10 =	sld [smem:$0x3FBA];
	_ =	sdelay $0x3  }
0x37: {  	[smem:$0x3FBA] =	sst s10  }
0x38: {  	s10 =	sld [smem:$0x3FBB]  }
0x39: {  	_ = 	snop;
	(pc) =	sbr.ind lr, $3  }
0x3a: {  	_ = 	snop  }
0x3b: {  	_ = 	snop  }
0x3c: {  	p2 =	seq.s32 s10, $0x1;
	s10 =	sld [smem:$0x3FBA]  }
0x3d: {  	_ =	shalt  }
0x3e: {  	_ =	shalt  }
0x3f: {  	_ =	shalt  }
0x40: {  	_ =	shalt  }
0x41: {  	_ =	shalt  }
0x42: {  	_ =	shalt  }
0x43: {  	_ =	shalt  }
0x44: {  	_ =	shalt  }
0x45: {  	_ =	shalt  }
0x46: {  	_ =	shalt  }
0x47: {  	_ =	shalt  }
0x48: {  	_ =	shalt  }
0x49: {  	_ =	shalt  }
0x4a: {  	_ =	shalt  }
0x4b: {  	_ =	shalt  }
0x4c: {  	_ =	shalt  }
0x4d: {  	_ =	shalt  }
0x4e: {  	_ =	shalt  }
0x4f: {  	_ =	shalt  }
0x50: {  	_ =	shalt  }
0x51: {  	_ =	shalt  }
0x52: {  	_ =	shalt  }
0x53: {  	_ =	shalt  }
0x54: {  	_ =	shalt  }
0x55: {  	_ =	shalt  }
0x56: {  	_ =	shalt  }
0x57: {  	_ =	shalt  }
0x58: {  	_ =	shalt  }
0x59: {  	_ =	shalt  }
0x5a: {  	_ =	shalt  }
0x5b: {  	_ =	shalt  }
0x5c: {  	_ =	shalt  }
0x5d: {  	_ =	shalt  }
0x5e: {  	_ =	shalt  }
0x5f: {  	_ =	shalt  }
0x60: {  	_ =	shalt  }
0x61: {  	_ =	shalt  }
0x62: {  	_ =	shalt  }
0x63: {  	_ =	shalt  }
0x64: {  	_ =	shalt  }
0x65: {  	_ =	shalt  }
0x66: {  	_ =	shalt  }
0x67: {  	_ =	shalt  }
0x68: {  	_ =	shalt  }
0x69: {  	_ =	shalt  }
0x6a: {  	_ =	shalt  }
0x6b: {  	_ =	shalt  }
0x6c: {  	_ =	shalt  }
0x6d: {  	_ =	shalt  }
0x6e: {  	_ =	shalt  }
0x6f: {  	_ =	shalt  }
0x70: {  	_ =	shalt  }
0x71: {  	_ =	shalt  }
0x72: {  	_ =	shalt  }
0x73: {  	_ =	shalt  }
0x74: {  	_ =	shalt  }
0x75: {  	_ =	shalt  }
0x76: {  	_ =	shalt  }
0x77: {  	_ =	shalt  }
0x78: {  	_ =	shalt  }
0x79: {  	_ =	shalt  }
0x7a: {  	_ =	shalt  }
0x7b: {  	_ =	shalt  }
0x7c: {  	_ =	shalt  }
0x7d: {  	_ =	shalt  }
0x7e: {  	_ =	shalt  }
0x7f: {  	_ =	shalt  }
0x80: {  	_ =	shalt  }
0x81: {  	_ =	shalt  }
0x82: {  	_ =	shalt  }
0x83: {  	_ =	shalt  }
0x84: {  	_ =	shalt  }
0x85: {  	_ =	shalt  }
0x86: {  	_ =	shalt  }
0x87: {  	_ =	shalt  }
.Lfunc_end0:
.L_simem_size_0:
called_computation_lowered:
.L_overlay_start_0:
0x88: {  	s2 =	sld [smem:$0x3FD9]  }
0x89: {  	s3 =	sld [smem:$0x3FFE];
	_ =	sdelay $0x1  }
0x8a: {  	s1 =	srdreg.scid  }
0x8b: {  	s0 =	sand.u32 $0x1, s1  }
0x8c: {  	s14 =	sshll.u32 s0, $0xA;
	s2 =	sadd.s32 s3, s2  }
0x8d: {  	s2 =	sadd.s32 s2, s14  }
0x8e: {  	[smem:$0x3FC6] =	sst s2  }
0x8f: {  	_ = 	snop  }
0x90: {  	s2 =	sld [smem:$0x3FD0];
	_ =	sdelay $0x2  }
0x91: {  	s15 =	simm.s32 $0xA;
	s4 =	simm.s32 $0x10  }
0x92: {  	[smem:s4], [sflag:s15] =	dma.local [hbm:s2], $0x1  }
0x93: {  	_ =	swait.eq [sflag:s15], $0x1  }
0x94: {  	[sflag:s15] =	ssyncset.done $0x0  }
0x95: {  	s16 =	sld [smem:$0x10];
	[sflag:s15] =	ssyncadd.s32 $0xFFFFFFFF  }
0x96: {  	s17 =	sld [smem:$0x11];
	(tm) =	ssettm $0x1  }
0x97: {  	s18 =	sld [smem:$0x3FFB];
	_ =	sdelay $0x3  }
0x98: {  	_ =	strace s18  }
0x99: {  	s4 =	sld [smem:$0x3FFC];
	_ =	sdelay $0x3  }
0x9a: {  	_ =	strace s4  }
0x9b: {  	s4 =	sld [smem:$0x3FFD];
	_ =	sdelay $0x3  }
0x9c: {  	_ =	strace s4  }
0x9d: {  	_ =	strace $0x8FFFFFFF  }
0x9e: {  	s19 =	sld [smem:$0x3FDB];
	_ =	sdelay $0x1  }
0x9f: {  	s5 =	simm.s32 $_scs_section_size  }
0xa0: {  	s6 =	simm.s32 $_size__tile_overlayer_lowered;
	s7 =	simm.s32 $_tile_overlayer_lowered  }
0xa1: {  	s22 =	simm.s32 $0x1BFF;
	s21 =	sshll.u32 s7, $0x1;
	s4 =	sadd.s32 s5, s19  }
0xa2: {  	s8 =	simm.s32 $0x0;
	s20 =	sshll.u32 s6, $0x1;
	s6 =	sadd.s32 s21, s4  }
0xa3: {  	[timem:s8], [sflag:s22] =	dma.local [hbm:s6], s20  }
0xa4: {  	_ =	swait.ge [sflag:s22], s20  }
0xa5: {  	s5 =	ssub.s32 $0x0, s20;
	[sflag:s22] =	ssyncset.done $0x0  }
0xa6: {  	[sflag:s22] =	ssyncadd.s32 s5;
	_ =	sdelay $0x1  }
0xa7: {  	s23 =	simm.s32 $0x1B8B  }
0xa8: {  	_ =	swait.ge [sflag:s23], $0x1  }
0xa9: {  	[sflag:s23] =	ssyncset.done $0x0  }
0xaa: {  	s25 =	simm.s32 $0x1B8E;
	s24 =	sld [smem:$0x3FFE];
	[sflag:s23] =	ssyncadd.s32 $0xFFFFFFFF  }
0xab: {  	s26 =	simm.s32 $execute0_lowered;
	[smem:$0x3FD2] =	sst s25  }
0xac: {  	s6 =	sshll.u32 s26, $0x1;
	_ =	strace $0x80000046;
	[dreg:$0x1] =	wrdreg $0xFFFFFFFF  }
0xad: {  	s28 =	simm.s32 $_size_execute0_lowered;
	s4 =	sadd.s32 s4, s6;
	[dreg:$0x0] =	wrdreg $0x0  }
0xae: {  	s6 =	sshll.u32 s28, $0x1;
	[dreg:$0x2] =	wrdreg s4  }
0xaf: {  	[dreg:$0x3] =	wrdreg s6  }
0xb0: {  	[dreg:$0x4] =	wrdreg $0xC0  }
0xb1: {  	_ =	task [dreg:s8], $0x5FFFF  }
0xb2: {  	[dreg:$0x1] =	wrdreg $0xFFFFFFFF  }
0xb3: {  	[dreg:$0x0] =	wrdreg $0x60  }
0xb4: {  	[dreg:$0x2] =	wrdreg s24  }
0xb5: {  	[dreg:$0x3] =	wrdreg s16  }
0xb6: {  	[dreg:$0x4] =	wrdreg s17  }
0xb7: {  	[dreg:$0x5] =	wrdreg $0x9  }
0xb8: {  	_ =	task.clear_ibuf [dreg:s8], $0x6FFFF;
	_ =	strace $0x90000046  }
0xb9: {  	s29 =	simm.s32 $0x9;
	_ =	strace $0x80000048  }
0xba: {  	_ =	swait.ge [sflag:s29], $0x1  }
0xbb: {  	[sflag:s29] =	ssyncadd.s32 $0xFFFFFFFF  }
0xbc: {  	_ =	strace $0x90000048  }
0xbd: {  	_ =	sfence  }
0xbe: {  	s30 =	sld [smem:$0x0];
	_ =	sdelay $0x2  }
0xbf: {  	s31 =	sshll.u32 s1, $0xD;
	s1 =	sshrl.u32 s1, $0x2  }
0xc0: {  	s3 =	sand.u32 $0x4000, s31;
	s1 =	sadd.s32 s1, s30  }
0xc1: {  	s0 =	sor.u32 s3, s0;
	s1 =	sshll.u32 s1, $0x11  }
0xc2: {  	s0 =	sor.u32 s1, s0  }
0xc3: {  	s0 =	sadd.s32 $0x8F2B, s0  }
0xc4: {  	[sflag:s0] =	ssyncadd.remote.s32 $0x1  }
0xc5: {  	_ =	sfence.sel $0xFFFF  }
0xc6: {  	[dreg:$0x0] =	wrdreg $0xFFFFFFFF;
	(pc) =	sbr.abs _section_cstart, $3  }
0xc7: {  	[dreg:$0x1] =	wrdreg $0xFFFFFFFF  }
0xc8: {  	_ =	task.clear_ibuf [dreg:s8], $0x2FFFF;
	_ =	strace $0x9FFFFFFF  }
0xc9: {  	(tm) =	ssettm $0x7FFFFFFF  }
tec
execute0_lowered:
.L_overlay_start_1:
0x0: {  	(tag) =	ssettag $0x1  }
0x1: {  	s3 =	rddreg [dreg:$0x0]  }
0x2: {  	s4 =	rddreg [dreg:$0x1]  }
0x3: {  	s5 =	rddreg [dreg:$0x2]  }
0x4: {  	s0 =	rddreg [dreg:$0x3];
	s6 =	srdreg.scid  }
0x5: {  	s2 =	simm.s32 $0x0;
	s1 =	stileid.u32;
	s9 =	simm.s32 $0x2800  }
0x6: {  	s10 =	simm.s32 $0x0;
	s6 =	sand.u32 $0x1, s6;
	[smem:$0x7FF] =	sst s2  }
0x7: {  	s7 =	sshll.u32 s1, $0xB;
	s8 =	sshll.u32 s6, $0xA;
	s6 =	ssub.s32 $0x2, s6  }
0x8: {  	_ =	strace $0x80000047;
	s7 =	sor.u32 s8, s7;
	s31 =	sshrl.u32 s6, $0x1  }
0x9: {  	s8 =	simm.s32 $0x2000;
	s3 =	sadd.s32 s7, s3;
	s7 =	sshrl.u32 s7, $0x2  }
0xa: {  	s6 =	ssub.s32 s6, s31;
	s3 =	sadd.s32 $0xC00, s3;
	s4 =	sadd.s32 s4, s7  }
0xb: {  	v0 =	vimm.s32 $0x0;
	s5 =	sadd.s32 s5, s7;
	s6 =	smax.u32 s6, $0x1;
	s7 =	simm.s32 $0x1  }
.LBB2_1:
0xc: {  	[tilespmem:s2], [sflag:$0x1] =	stream.linear.gather [hbm4b:s3+s2], $0x2000, $0x38;
	[tilespmem:$0x3000] =	vst v63  }
0xd: {  	s12 =	simm.s32 $0x0;
	_ =	swait.ge [sflag:s7], $0x2000  }
0xe: {  	s11 =	sand.u32 $0x70, s2;
	s12 =	sand.u32 $0x3FFFFC00, s12;
	[sflag:s7] =	ssyncset.done $0x0  }
0xf: {  	s12 =	sor.u32 s11, s12;
	[sflag:s7] =	ssyncadd.s32 $0xFFFFE000  }
0x10: {  	v1 =	vld [tilespmem:s12+$0x0]  }
0x11: {  	v2 =	vld [tilespmem:s12+$0x80]  }
0x12: {  	v3 =	vld [tilespmem:s12+$0x100]  }
0x13: {  	v4 =	vld [tilespmem:s12+$0x180]  }
0x14: {  	v5 =	vld [tilespmem:s12+$0x200]  }
0x15: {  	v6 =	vld [tilespmem:s12+$0x280]  }
0x16: {  	v7 =	vld [tilespmem:s12+$0x300];
	v8 =	vmax.f32 v1, v2  }
0x17: {  	v9 =	vld [tilespmem:s12+$0x380];
	v8 =	vmax.f32 v8, v3  }
0x18: {  	v8 =	vmax.f32 v8, v4  }
0x19: {  	v8 =	vmax.f32 v8, v5  }
0x1a: {  	v8 =	vmax.f32 v8, v6  }
0x1b: {  	v8 =	vmax.f32 v8, v7  }
0x1c: {  	v8 =	vmax.f32 v8, v9  }
0x1d: {  	v10 =	vsub.f32 v1, v8;
	v11 =	vsub.f32 v2, v8;
	vm0 =	vne.f32 v1, v8  }
0x1e: {  	vm1 =	veq.f32 v7, v8;
	v12 =	vsub.f32 v3, v8;
	v13 =	vsub.f32 v4, v8  }
0x1f: {  	v14 =	vsub.f32 v5, v8;
	vm2 =	veq.f32 v5, v8;
	v10 =	vmul.f32 $1.442695020e+00, v10  }
0x20: {  	vm3 =	veq.f32 v9, v8;
	vm13 =	veq.f32 v4, v8;
	v11 =	vmul.f32 $1.442695020e+00, v11  }
0x21: {  	vm4 =	veq.f32 v6, v8;
	vm5 =	veq.f32 v3, v8;
	(erf) = vpow2.f32 v10  }
0x22: {  	v41 =	vsel vm3, $0x7, v0;
	v12 =	vmul.f32 $1.442695020e+00, v12;
	(erf) = vpow2.f32 v11  }
0x23: {  	vm14 =	veq.f32 v2, v8;
	v43 =	vsub.f32 v6, v8;
	v42 =	vsel vm1, $0x6, v41  }
0x24: {  	v13 =	vmul.f32 $1.442695020e+00, v13;
	v11 =	vsel vm4, $0x5, v42;
	(erf) = vpow2.f32 v12  }
0x25: {  	v44 =	vsub.f32 v7, v8;
	v45 =	vsub.f32 v9, v8;
	v11 =	vsel vm2, $0x4, v11  }
0x26: {  	v40 =	vmul.f32 $1.442695020e+00, v14;
	(erf) = vpow2.f32 v13;
	v11 =	vsel vm13, $0x3, v11  }
0x27: {  	vm15 =	vmand vm0, vm14;
	v47 =	vmul.f32 $1.442695020e+00, v44;
	v46 =	vsel vm5, $0x2, v11  }
0x28: {  	v12 =	vmul.f32 $1.442695020e+00, v43;
	(erf) = vpow2.f32 v40;
	v10 =	vsel vm14, $0x1, v46  }
0x29: {  	v2 =	vsel vm15, $0xFF800000, v2;
	v48 =	vmul.f32 $1.442695020e+00, v45;
	v10 =	vnsel vm0, $0x0, v10  }
0x2a: {  	(erf) = vpow2.f32 v12;
	vm0 =	veq.s32 v10, $0x0;
	vm4 =	veq.s32 v10, $0x3;
	v49 =	vpop (erf)  }
0x2b: {  	vm5 =	veq.s32 v10, $0x4;
	vm6 =	veq.s32 v10, $0x2;
	vm7 =	veq.s32 v10, $0x5;
	v50 =	vpop (erf)  }
0x2c: {  	v1 =	vsel vm0, $0xFF800000, v1;
	(erf) = vpow2.f32 v47;
	v11 =	vadd.f32 v50, v49  }
0x2d: {  	v3 =	vsel vm6, $0xFF800000, v3;
	v4 =	vsel vm4, $0xFF800000, v4;
	v52 =	vmax.f32 v1, v2;
	v51 =	vpop (erf)  }
0x2e: {  	v53 =	vmax.f32 v52, v3;
	(erf) = vpow2.f32 v48;
	v11 =	vadd.f32 v11, v51  }
0x2f: {  	vm8 =	veq.s32 v10, $0x6;
	v5 =	vsel vm5, $0xFF800000, v5;
	v54 =	vmax.f32 v53, v4;
	v55 =	vpop (erf)  }
0x30: {  	v6 =	vsel vm7, $0xFF800000, v6;
	v12 =	vmax.f32 v54, v5;
	v11 =	vadd.f32 v11, v55  }
0x31: {  	vm9 =	veq.s32 v10, $0x7;
	v7 =	vsel vm8, $0xFF800000, v7;
	v12 =	vmax.f32 v12, v6;
	v56 =	vpop (erf)  }
0x32: {  	v9 =	vsel vm9, $0xFF800000, v9;
	v12 =	vmax.f32 v12, v7;
	v11 =	vadd.f32 v11, v56  }
0x33: {  	v57 =	vpop (erf);
	v12 =	vmax.f32 v12, v9  }
0x34: {  	vm0 =	veq.f32 v9, v12;
	v9 =	vadd.f32 v11, v57  }
0x35: {  	vm1 =	veq.f32 v7, v12;
	v8 =	vsub.f32 v12, v8;
	v59 =	vpop (erf)  }
0x36: {  	vm10 =	veq.f32 v6, v12;
	v58 =	vsel vm0, $0x7, v0;
	v61 =	vadd.f32 v9, v59  }
0x37: {  	vm11 =	veq.f32 v5, v12;
	v7 =	vsel vm1, $0x6, v58;
	v62 =	vmul.f32 $1.442695020e+00, v8;
	v63 =	vpop (erf)  }
0x38: {  	vm12 =	veq.f32 v4, v12;
	v60 =	vsel vm10, $0x5, v7;
	v4 =	vadd.f32 v61, v63  }
0x39: {  	v5 =	vsel vm11, $0x4, v60;
	(erf) = vpow2.f32 v62  }
0x3a: {  	s31 =	simm.s32 $0x0;
	vm13 =	veq.f32 v3, v12;
	v3 =	vsel vm12, $0x3, v5;
	(erf) = vrcp.f32 v4  }
0x3b: {  	s12 =	sand.u32 $0xFFFFFF00, s31;
	vm14 =	veq.f32 v2, v12;
	v2 =	vsel vm13, $0x2, v3  }
0x3c: {  	s13 =	sor.u32 s11, s12;
	vm15 =	veq.f32 v1, v12;
	v1 =	vsel vm14, $0x1, v2  }
0x3d: {  	s11 =	simm.s32 $0x1;
	s12 =	simm.s32 $0x0;
	[tilespmem:s13+$0x2000] =	vst v10;
	v1 =	vsel vm15, $0x0, v1  }
.LBB2_2:
0x3e: {  	p0 =	sne.s32 s11, $0x3F  }
0x3f: {  	s12 =	sadd.s32 $0x10, s12;
	s15 =	smov.u32 s11;
	s11 =	sadd.s32 $0x1, s11  }
0x40: {  	_ = 	snop  }
0x41: {  	s16 =	sshll.u32 s15, $0x7  }
0x42: {  	s14 =	sand.u32 $0x70, s12;
	s16 =	sand.u32 $0x3FFFFC00, s16;
	v2 =	vpop (erf)  }
0x43: {  	s16 =	sor.u32 s14, s16;
	v3 =	vpop (erf)  }
0x44: {  	[tilespmem:s13+$0x2800] =	vst v3;
	v2 =	vmul.f32 v2, v3  }
0x45: {  	[tilespmem:s13+$0x2080] =	vst v1  }
0x46: {  	[tilespmem:s13+$0x2880] =	vst v2  }
0x47: {  	v1 =	vld [tilespmem:s16+$0x180]  }
0x48: {  	v2 =	vld [tilespmem:s16+$0x100]  }
0x49: {  	v3 =	vld [tilespmem:s16+$0x0]  }
0x4a: {  	v4 =	vld [tilespmem:s16+$0x80]  }
0x4b: {  	v5 =	vld [tilespmem:s16+$0x300]  }
0x4c: {  	v6 =	vld [tilespmem:s16+$0x380]  }
0x4d: {  	v7 =	vld [tilespmem:s16+$0x200]  }
0x4e: {  	v8 =	vld [tilespmem:s16+$0x280]  }
0x4f: {  	v9 =	vmax.f32 v3, v4  }
0x50: {  	v9 =	vmax.f32 v9, v2  }
0x51: {  	v9 =	vmax.f32 v9, v1  }
0x52: {  	v9 =	vmax.f32 v9, v7  }
0x53: {  	v9 =	vmax.f32 v9, v8  }
0x54: {  	v9 =	vmax.f32 v9, v5  }
0x55: {  	v9 =	vmax.f32 v9, v6  }
0x56: {  	vm0 =	vne.f32 v3, v9;
	v10 =	vsub.f32 v3, v9;
	v11 =	vsub.f32 v4, v9  }
0x57: {  	vm1 =	veq.f32 v5, v9;
	v12 =	vsub.f32 v2, v9;
	v13 =	vsub.f32 v1, v9  }
0x58: {  	v14 =	vsub.f32 v7, v9;
	v10 =	vmul.f32 $1.442695020e+00, v10;
	v11 =	vmul.f32 $1.442695020e+00, v11  }
0x59: {  	vm2 =	veq.f32 v7, v9;
	v12 =	vmul.f32 $1.442695020e+00, v12;
	v13 =	vmul.f32 $1.442695020e+00, v13  }
0x5a: {  	vm3 =	veq.f32 v6, v9;
	v14 =	vmul.f32 $1.442695020e+00, v14;
	(erf) = vpow2.f32 v10  }
0x5b: {  	v10 =	vsel vm3, $0x7, v0;
	vm3 =	veq.f32 v1, v9;
	(erf) = vpow2.f32 v11  }
0x5c: {  	vm4 =	veq.f32 v8, v9;
	vm5 =	veq.f32 v2, v9;
	(erf) = vpow2.f32 v12  }
0x5d: {  	v10 =	vsel vm1, $0x6, v10;
	vm1 =	veq.f32 v4, v9;
	v11 =	vsub.f32 v8, v9  }
0x5e: {  	v10 =	vsel vm4, $0x5, v10;
	vm4 =	vmand vm0, vm1;
	(erf) = vpow2.f32 v13  }
0x5f: {  	v12 =	vsub.f32 v5, v9;
	v10 =	vsel vm2, $0x4, v10;
	v11 =	vmul.f32 $1.442695020e+00, v11  }
0x60: {  	v15 =	vsub.f32 v6, v9;
	v10 =	vsel vm3, $0x3, v10;
	(erf) = vpow2.f32 v14  }
0x61: {  	s13 =	sshll.u32 s15, $0x5;
	v10 =	vsel vm5, $0x2, v10;
	v14 =	vmul.f32 $1.442695020e+00, v12  }
0x62: {  	s13 =	sand.u32 $0xFFFFFF00, s13;
	v4 =	vsel vm4, $0xFF800000, v4;
	v10 =	vsel vm1, $0x1, v10;
	(erf) = vpow2.f32 v11  }
0x63: {  	s13 =	sor.u32 s14, s13;
	v10 =	vnsel vm0, $0x0, v10;
	v11 =	vmul.f32 $1.442695020e+00, v15;
	v13 =	vpop (erf);
	(erf) = vpow2.f32 v14  }
0x64: {  	vm0 =	veq.s32 v10, $0x0;
	vm1 =	veq.s32 v10, $0x3;
	vm2 =	veq.s32 v10, $0x4;
	[tilespmem:s13+$0x2000] =	vst v10;
	v12 =	vpop (erf)  }
0x65: {  	v3 =	vsel vm0, $0xFF800000, v3;
	v7 =	vsel vm2, $0xFF800000, v7;
	v12 =	vadd.f32 v12, v13;
	v13 =	vpop (erf)  }
0x66: {  	vm0 =	veq.s32 v10, $0x2;
	v1 =	vsel vm1, $0xFF800000, v1;
	v14 =	vmax.f32 v3, v4  }
0x67: {  	v2 =	vsel vm0, $0xFF800000, v2;
	v12 =	vadd.f32 v12, v13;
	v13 =	vpop (erf);
	(erf) = vpow2.f32 v11  }
0x68: {  	vm1 =	veq.s32 v10, $0x6;
	vm0 =	veq.s32 v10, $0x5;
	v11 =	vmax.f32 v14, v2  }
0x69: {  	v8 =	vsel vm0, $0xFF800000, v8;
	v11 =	vmax.f32 v11, v1;
	v14 =	vadd.f32 v12, v13;
	v13 =	vpop (erf)  }
0x6a: {  	v5 =	vsel vm1, $0xFF800000, v5;
	vm0 =	veq.s32 v10, $0x7;
	v10 =	vmax.f32 v11, v7  }
0x6b: {  	v6 =	vsel vm0, $0xFF800000, v6;
	v10 =	vmax.f32 v10, v8;
	v11 =	vadd.f32 v14, v13;
	v12 =	vpop (erf)  }
0x6c: {  	v10 =	vmax.f32 v10, v5;
	v13 =	vpop (erf)  }
0x6d: {  	v10 =	vmax.f32 v10, v6;
	v11 =	vadd.f32 v11, v12  }
0x6e: {  	vm0 =	veq.f32 v6, v10;
	vm1 =	veq.f32 v5, v10;
	v5 =	vsub.f32 v10, v9  }
0x6f: {  	v6 =	vsel vm0, $0x7, v0;
	vm0 =	veq.f32 v1, v10;
	v1 =	vadd.f32 v11, v13  }
0x70: {  	v6 =	vsel vm1, $0x6, v6;
	vm1 =	veq.f32 v7, v10;
	v5 =	vmul.f32 $1.442695020e+00, v5;
	v7 =	vpop (erf)  }
0x71: {  	vm2 =	veq.f32 v8, v10;
	vm3 =	veq.f32 v2, v10;
	v1 =	vadd.f32 v1, v7  }
0x72: {  	v2 =	vsel vm2, $0x5, v6;
	vm2 =	veq.f32 v4, v10;
	(erf) = vpow2.f32 v5  }
.Ltmp0:
0x73: {  	v2 =	vsel vm1, $0x4, v2;
	vm1 =	veq.f32 v3, v10;
	(erf) = vrcp.f32 v1;
	(pc) =	sbr.rel @p0 .LBB2_2-.Ltmp0, $4  }
0x74: {  	v1 =	vsel vm0, $0x3, v2  }
0x75: {  	v1 =	vsel vm3, $0x2, v1  }
0x76: {  	v1 =	vsel vm2, $0x1, v1  }
0x77: {  	v1 =	vsel vm1, $0x0, v1  }
0x78: {  	_ =	sdelay $0x2  }
0x79: {  	v2 =	vpop (erf)  }
0x7a: {  	v3 =	vpop (erf)  }
0x7b: {  	[tilespmem:s13+$0x2080] =	vst v1;
	v2 =	vmul.f32 v2, v3  }
0x7c: {  	[tilespmem:s13+$0x2800] =	vst v3  }
0x7d: {  	[tilespmem:s13+$0x2880] =	vst v2  }
0x7e: {  	[hbm4b:s4+s2] =	stream.linear.scatter [tilespmem:s8], [sflag:$0x1], $0x800, $0x38;
	[tilespmem:$0x3000] =	vst v63  }
0x7f: {  	s10 =	sadd.s32 $0x1, s10;
	_ =	swait.ge [sflag:s7], $0x800  }
0x80: {  	p0 =	sne.s32 s10, s6;
	[sflag:s7] =	ssyncset.done $0x0  }
.Ltmp1:
0x81: {  	[sflag:s7] =	ssyncadd.s32 $0xFFFFF800;
	(pc) =	sbr.rel @p0 .LBB2_1-.Ltmp1, $4  }
0x82: {  	[hbm4b:s5+s2] =	stream.linear.scatter [tilespmem:s9], [sflag:$0x1], $0x800, $0x38;
	[tilespmem:$0x3000] =	vst v63  }
0x83: {  	_ =	swait.ge [sflag:s7], $0x800  }
0x84: {  	[sflag:s7] =	ssyncset.done $0x0  }
0x85: {  	[sflag:s7] =	ssyncadd.s32 $0xFFFFF800  }
0x86: {  	_ =	sfence.sel $0x180000  }
0x87: {  	[bflag:$0x0] =	sbarrier.arrive $0xFFFF  }
0x88: {  	p0 =	sne.s32 s1, $0x0;
	_ =	strace $0x90000047  }
0x89: {  	s0 =	sadd.s32 @!p0 $0x100000, s0;
	[bflag:$0x2] =	sbarrier.arrive $0xFFFF  }
0x8a: {  	[sflag:s0] =	ssyncadd.tile.s32 @!p0 $0x1;
	_ =	shalt  }
.Lfunc_end2:
_tile_overlayer_lowered:
.L_overlay_start_2:
0x8b: {  	(tag) =	ssettag $0x2  }
0x8c: {  	s0 =	rddreg [dreg:$0x0];
	s2 =	stileid.u32  }
0x8d: {  	s1 =	rddreg [dreg:$0x1];
	p0 =	sne.s32 s2, $0x0  }
0x8e: {  	s3 =	rddreg [dreg:$0x2];
	[bflag:$0x3] =	sbarrier.arrive $0xFFFF;
	s2 =	simm.s32 @!p0 $0x1C01  }
0x8f: {  	[timem:s3], [sflag:s2] =	dma.local @!p0 [hbm:s0], s1  }
0x90: {  	s0 =	simm.s32 @!p0 $0x1  }
0x91: {  	_ =	swait.ge @!p0 [sflag:s0], s1  }
0x92: {  	s1 =	ssub.s32 @!p0 $0x0, s1;
	[sflag:s0] =	ssyncset.done @!p0 $0x0  }
0x93: {  	[sflag:s0] =	ssyncadd.s32 @!p0 s1  }
0x94: {  	[bflag:$0x3] =	sbarrier.arrive $0xFFFF  }
0x95: {  	_ =	shalt  }

</sc_bundles>
